<compile_context>
chip_gen: v7x
topology: tpu7x:2x2x1
jax: 0.10.2.dev20260603
libtpu: 0.0.44.dev20260713+nightly
codegen_flags: <defaults>
</compile_context>

<pallas_src>
import functools

import jax
import jax.numpy as jnp
from jax.experimental import pallas as pl
from jax.experimental.pallas import tpu as pltpu

B = 256
N = 64
ENC = 128
DEC = 64
DEC2 = 32
RB = 8
ROWS = RB * N
STEPS = DEC // RB


def _goggle_kernel(x_ref, we_ref, be_ref, wmu_ref, bmu_ref, wlv_ref, blv_ref,
                   g_ref, w0f_ref, ccf_ref, w1m_ref, b1e_ref, w2m_ref, b2_ref,
                   it_ref, eps_ref,
                   xhat_ref, adj_ref, mu_ref, lv_ref,
                   bz_ref, acc_ref, adjexp_ref):
    k = pl.program_id(0)

    @pl.when(k == 0)
    def _prologue():
        h = jax.nn.relu(jnp.dot(x_ref[...], we_ref[...],
                                preferred_element_type=jnp.float32) + be_ref[...])
        mu = jnp.dot(h, wmu_ref[...], preferred_element_type=jnp.float32) + bmu_ref[...]
        lv = jnp.dot(h, wlv_ref[...], preferred_element_type=jnp.float32) + blv_ref[...]
        mu_ref[...] = mu
        lv_ref[...] = lv
        z = mu + eps_ref[...] * jnp.exp(0.5 * lv)

        r_id = jax.lax.broadcasted_iota(jnp.int32, (N, N), 0)
        c_id = jax.lax.broadcasted_iota(jnp.int32, (N, N), 1)
        eye = (r_id == c_id).astype(jnp.float32)
        adj = jax.nn.sigmoid(g_ref[...]) * (1.0 - eye) + eye
        adj = jnp.where(jnp.logical_and(it_ref[0, 0] > 50.0, adj <= 0.1), 0.0, adj)
        adj_ref[...] = adj
        adjexp_ref[...] = jnp.concatenate([adj] * DEC2, axis=1)

        zexp = jnp.concatenate([z] * DEC, axis=1)
        bz_ref[...] = jnp.tanh(zexp * w0f_ref[...] + ccf_ref[...])
        acc_ref[...] = jnp.zeros((B, DEC2 * N), dtype=jnp.float32)

    scale = jnp.concatenate([adjexp_ref[...]] * RB, axis=0)
    lhs = bz_ref[:, pl.ds(k * ROWS, ROWS)]
    acc_ref[...] += jnp.dot(lhs, w1m_ref[...] * scale,
                            preferred_element_type=jnp.float32)

    @pl.when(k == STEPS - 1)
    def _epilogue():
        h1 = jax.nn.relu(acc_ref[...] + b1e_ref[...])
        s2 = jnp.concatenate([adj_ref[...]] * DEC2, axis=0)
        xhat_ref[...] = jnp.dot(h1, w2m_ref[...] * s2,
                                preferred_element_type=jnp.float32) + b2_ref[...]


@functools.partial(jax.jit, static_argnames=())
def kernel(x, We, be, Wmu, bmu, Wlv, blv, G, Wemb, bemb, W1, b1, W2, b2, iter):
    f32 = jnp.float32
    w0f = Wemb[:, 0, :].T.reshape(1, DEC * N)
    ccf = (Wemb[jnp.arange(N), jnp.arange(N) + 1, :] + bemb).T.reshape(1, DEC * N)
    w1m = W1.transpose(2, 0, 3, 1).reshape(DEC * N, DEC2 * N)
    w2m = W2[:, :, :, 0].transpose(2, 0, 1).reshape(DEC2 * N, N)
    b1e = jnp.repeat(b1, N).reshape(1, DEC2 * N)
    eps = jax.random.normal(jax.random.key(42), (B, N), dtype=f32)
    it = jnp.asarray(iter, dtype=f32).reshape(1, 1)

    grid = (STEPS,)
    resident = lambda s: pl.BlockSpec(s, lambda k: (0,) * len(s))
    out = pl.pallas_call(
        _goggle_kernel,
        grid=grid,
        in_specs=[
            resident((B, N)),
            resident((N, ENC)),
            resident((1, ENC)),
            resident((ENC, N)),
            resident((1, N)),
            resident((ENC, N)),
            resident((1, N)),
            resident((N, N)),
            resident((1, DEC * N)),
            resident((1, DEC * N)),
            pl.BlockSpec((ROWS, DEC2 * N), lambda k: (k, 0)),
            resident((1, DEC2 * N)),
            resident((DEC2 * N, N)),
            resident((1, 1)),
            resident((1, 1)),
            resident((B, N)),
        ],
        out_specs=(
            resident((B, N)),
            resident((N, N)),
            resident((B, N)),
            resident((B, N)),
        ),
        out_shape=(
            jax.ShapeDtypeStruct((B, N), f32),
            jax.ShapeDtypeStruct((N, N), f32),
            jax.ShapeDtypeStruct((B, N), f32),
            jax.ShapeDtypeStruct((B, N), f32),
        ),
        scratch_shapes=[
            pltpu.VMEM((B, DEC * N), f32),
            pltpu.VMEM((B, DEC2 * N), f32),
            pltpu.VMEM((N, DEC2 * N), f32),
        ],
        compiler_params=pltpu.CompilerParams(
            dimension_semantics=("arbitrary",),
        ),
    )(x, We, be.reshape(1, ENC), Wmu, bmu.reshape(1, N), Wlv, blv.reshape(1, N),
      G, w0f, ccf, w1m, b1e, w2m, b2.reshape(1, 1), it, eps)
    return out

# --- scband reference (transcript-rebuilt; emitter-appended) ---
"""Pipeline reference for scband-goggle-90744069030337 (READ-ONLY COPY).

The authoritative reference and input builder live on the scoring server;
editing this copy changes nothing except your own understanding.
"""

import jax, jax.numpy as jnp
import numpy as np

B = 256      # batch of tabular rows
N = 64       # input_dim = n_nodes (features-as-nodes)
ENC = 128    # encoder_dim
DEC = 64     # decoder_dim (RGCN layer0 in)
DEC2 = 32    # decoder_dim/2 (RGCN layer0 out, layer1 in)


def setup_inputs(seed: int = 0) -> dict:
    key = jax.random.key(seed)
    ks = jax.random.split(key, 12)
    s = 0.05
    inp = {
        'x':    jax.random.normal(ks[0], (B, N), dtype=jnp.float32),
        # Encoder params: Linear(N,ENC)+ReLU, then mu/logvar heads Linear(ENC,N)
        'We':   jax.random.normal(ks[1], (N, ENC), dtype=jnp.float32) * s,
        'be':   jnp.zeros((ENC,), dtype=jnp.float32),
        'Wmu':  jax.random.normal(ks[2], (ENC, N), dtype=jnp.float32) * s,
        'bmu':  jnp.zeros((N,), dtype=jnp.float32),
        'Wlv':  jax.random.normal(ks[3], (ENC, N), dtype=jnp.float32) * s,
        'blv':  jnp.zeros((N,), dtype=jnp.float32),
        # LearnedGraph parameter (N,N)
        'G':    jax.random.normal(ks[4], (N, N), dtype=jnp.float32) * s,
        # GraphInputProcessorHet: per-node Linear(N+1, DEC) + Tanh (het_encoding=True)
        'Wemb': jax.random.normal(ks[5], (N, N + 1, DEC), dtype=jnp.float32) * s,
        'bemb': jnp.zeros((N, DEC), dtype=jnp.float32),
        # GraphDecoderHet: RGCNConv(DEC,DEC2,num_relations=N*N+1,num_blocks=1,root_weight=False)
        # relation weights stored indexed by local (src,dst) pair (types 1..N*N; type 0 unused)
        'W1':   jax.random.normal(ks[6], (N, N, DEC, DEC2), dtype=jnp.float32) * s,
        'b1':   jnp.zeros((DEC2,), dtype=jnp.float32),
        'W2':   jax.random.normal(ks[7], (N, N, DEC2, 1), dtype=jnp.float32) * s,
        'b2':   jnp.zeros((1,), dtype=jnp.float32),
        'iter': 10,
    }
    return inp


def reference(x, We, be, Wmu, bmu, Wlv, blv, G, Wemb, bemb, W1, b1, W2, b2, iter):
    # ---- Encoder ----
    h = jax.nn.relu(x @ We + be)
    mu_z = h @ Wmu + bmu
    logvar_z = h @ Wlv + blv
    eps = jax.random.normal(jax.random.key(42), mu_z.shape, dtype=jnp.float32)
    z = mu_z + eps * jnp.exp(0.5 * logvar_z)          # (B, N)

    # ---- LearnedGraph ----
    I = jnp.eye(N, dtype=jnp.float32)
    adj = jax.nn.sigmoid(G) * (jnp.ones((N, N), dtype=jnp.float32) - I) + I
    adj = jnp.where(jnp.logical_and(iter > 50, adj <= 0.1), 0.0, adj)  # nn.Threshold(threshold, 0)

    # ---- GraphInputProcessorHet (het_encoding=True) ----
    one_hot = jnp.broadcast_to(I, (B, N, N))
    feat = jnp.concatenate([z[..., None], one_hot], axis=-1)          # (B, N, N+1)
    b_z = jnp.tanh(jnp.einsum('bif,ifd->bid', feat, Wemb) + bemb[None])  # (B, N, DEC)

    # ---- GraphDecoderHet: two RGCNConv layers (num_blocks=1, root_weight=False) ----
    # Batched block-diagonal graph: every (src r, dst c) pair within a sample is an edge
    # with weight adj[r, c] and its own relation type (r*N + c + 1). Each relation has
    # exactly one incoming edge per (sample, dst), so PyG's per-relation mean == the
    # single weighted message: out[b, c] = sum_r adj[r, c] * (h[b, r] @ W[r, c]) + bias.
    h1 = jax.nn.relu(jnp.einsum('bri,rcio,rc->bco', b_z, W1, adj) + b1)  # (B, N, DEC2)
    h2 = jnp.einsum('bri,rcio,rc->bco', h1, W2, adj) + b2                 # (B, N, 1)

    x_hat = h2.reshape(B, -1)                                             # (B, N)
    return (x_hat, adj, mu_z, logvar_z)

if __name__ == "__main__":
    import jax
    _d = setup_inputs()
    print(jax.jit(kernel)(*tuple(_d.values())))

</pallas_src>

<mosaic_0001>
module attributes {stable_mosaic.version = 14 : i64} {
  func.func @_goggle_kernel(%arg0: i32, %arg1: memref<256x64xf32, #tpu.memory_space<vmem>>, %arg2: memref<64x128xf32, #tpu.memory_space<vmem>>, %arg3: memref<1x128xf32, #tpu.memory_space<vmem>>, %arg4: memref<128x64xf32, #tpu.memory_space<vmem>>, %arg5: memref<1x64xf32, #tpu.memory_space<vmem>>, %arg6: memref<128x64xf32, #tpu.memory_space<vmem>>, %arg7: memref<1x64xf32, #tpu.memory_space<vmem>>, %arg8: memref<64x64xf32, #tpu.memory_space<vmem>>, %arg9: memref<1x4096xf32, #tpu.memory_space<vmem>>, %arg10: memref<1x4096xf32, #tpu.memory_space<vmem>>, %arg11: memref<512x2048xf32, #tpu.memory_space<vmem>>, %arg12: memref<1x2048xf32, #tpu.memory_space<vmem>>, %arg13: memref<2048x64xf32, #tpu.memory_space<vmem>>, %arg14: memref<1x1xf32, #tpu.memory_space<vmem>>, %arg15: memref<1x1xf32, #tpu.memory_space<vmem>>, %arg16: memref<256x64xf32, #tpu.memory_space<vmem>>, %arg17: memref<256x64xf32, #tpu.memory_space<vmem>>, %arg18: memref<64x64xf32, #tpu.memory_space<vmem>>, %arg19: memref<256x64xf32, #tpu.memory_space<vmem>>, %arg20: memref<256x64xf32, #tpu.memory_space<vmem>>, %arg21: memref<256x4096xf32, #tpu.memory_space<vmem>>, %arg22: memref<256x2048xf32, #tpu.memory_space<vmem>>, %arg23: memref<64x2048xf32, #tpu.memory_space<vmem>>) attributes {dimension_semantics = [#tpu.dimension_semantics<arbitrary>], iteration_bounds = array<i64: 8>, scalar_prefetch = 0 : i64, scratch_operands = 3 : i64, tpu.core_type = #tpu.core_type<tc>, window_params = [{pipeline_mode = #tpu.pipeline_mode<synchronous>, transform_indices = @transform_0, window_bounds = array<i64: 256, 64>}, {pipeline_mode = #tpu.pipeline_mode<synchronous>, transform_indices = @transform_1, window_bounds = array<i64: 64, 128>}, {pipeline_mode = #tpu.pipeline_mode<synchronous>, transform_indices = @transform_2, window_bounds = array<i64: 1, 128>}, {pipeline_mode = #tpu.pipeline_mode<synchronous>, transform_indices = @transform_3, window_bounds = array<i64: 128, 64>}, {pipeline_mode = #tpu.pipeline_mode<synchronous>, transform_indices = @transform_4, window_bounds = array<i64: 1, 64>}, {pipeline_mode = #tpu.pipeline_mode<synchronous>, transform_indices = @transform_5, window_bounds = array<i64: 128, 64>}, {pipeline_mode = #tpu.pipeline_mode<synchronous>, transform_indices = @transform_6, window_bounds = array<i64: 1, 64>}, {pipeline_mode = #tpu.pipeline_mode<synchronous>, transform_indices = @transform_7, window_bounds = array<i64: 64, 64>}, {pipeline_mode = #tpu.pipeline_mode<synchronous>, transform_indices = @transform_8, window_bounds = array<i64: 1, 4096>}, {pipeline_mode = #tpu.pipeline_mode<synchronous>, transform_indices = @transform_9, window_bounds = array<i64: 1, 4096>}, {transform_indices = @transform_10, window_bounds = array<i64: 512, 2048>}, {pipeline_mode = #tpu.pipeline_mode<synchronous>, transform_indices = @transform_11, window_bounds = array<i64: 1, 2048>}, {pipeline_mode = #tpu.pipeline_mode<synchronous>, transform_indices = @transform_12, window_bounds = array<i64: 2048, 64>}, {pipeline_mode = #tpu.pipeline_mode<synchronous>, transform_indices = @transform_13, window_bounds = array<i64: 1, 1>}, {pipeline_mode = #tpu.pipeline_mode<synchronous>, transform_indices = @transform_14, window_bounds = array<i64: 1, 1>}, {pipeline_mode = #tpu.pipeline_mode<synchronous>, transform_indices = @transform_15, window_bounds = array<i64: 256, 64>}, {pipeline_mode = #tpu.pipeline_mode<synchronous>, transform_indices = @transform_16, window_bounds = array<i64: 256, 64>}, {pipeline_mode = #tpu.pipeline_mode<synchronous>, transform_indices = @transform_17, window_bounds = array<i64: 64, 64>}, {pipeline_mode = #tpu.pipeline_mode<synchronous>, transform_indices = @transform_18, window_bounds = array<i64: 256, 64>}, {pipeline_mode = #tpu.pipeline_mode<synchronous>, transform_indices = @transform_19, window_bounds = array<i64: 256, 64>}]} {
    %eq3A = arith.constant 0 : i32
    %eq3A_0 = arith.cmpi eq, %arg0, %eq3A : i32
    %convert_element_type3A = arith.extui %eq3A_0 : i1 to i32
    %cond3A = arith.constant 0 : i32
    %cond3A_1 = arith.cmpi ne, %convert_element_type3A, %cond3A : i32
    scf.if %cond3A_1 {
      %get3A_23 = arith.constant 0 : index
      %get3A_24 = arith.constant 0 : index
      %get3A_25 = vector.load %arg1[%get3A_23, %get3A_24] : memref<256x64xf32, #tpu.memory_space<vmem>>, vector<256x64xf32>
      %get3A_26 = arith.constant 0 : index
      %get3A_27 = arith.constant 0 : index
      %get3A_28 = vector.load %arg2[%get3A_26, %get3A_27] : memref<64x128xf32, #tpu.memory_space<vmem>>, vector<64x128xf32>
      %dot_general3A_29 = arith.constant dense<0.000000e+00> : vector<256x128xf32>
      %dot_general3A_30 = tpu.matmul %get3A_25, %get3A_28, %dot_general3A_29 {dimension_numbers = #tpu.dot_dimension_numbers<[1], [0], [0], [1], [0, 0, 1, 1], [], []>, transpose_lhs_hint = false} : vector<256x64xf32>, vector<64x128xf32>, vector<256x128xf32> -> vector<256x128xf32>
      %get3A_31 = arith.constant 0 : index
      %get3A_32 = arith.constant 0 : index
      %get3A_33 = vector.load %arg3[%get3A_31, %get3A_32] : memref<1x128xf32, #tpu.memory_space<vmem>>, vector<1x128xf32>
      %add3A_34 = vector.broadcast %get3A_33 : vector<1x128xf32> to vector<256x128xf32>
      %add3A_35 = arith.addf %dot_general3A_30, %add3A_34 : vector<256x128xf32>
      %max3A = arith.constant 0.000000e+00 : f32
      %max3A_36 = vector.broadcast %max3A : f32 to vector<256x128xf32>
      %max3A_37 = arith.maximumf %add3A_35, %max3A_36 : vector<256x128xf32>
      %get3A_38 = arith.constant 0 : index
      %get3A_39 = arith.constant 0 : index
      %get3A_40 = vector.load %arg4[%get3A_38, %get3A_39] : memref<128x64xf32, #tpu.memory_space<vmem>>, vector<128x64xf32>
      %dot_general3A_41 = arith.constant dense<0.000000e+00> : vector<256x64xf32>
      %dot_general3A_42 = tpu.matmul %max3A_37, %get3A_40, %dot_general3A_41 {dimension_numbers = #tpu.dot_dimension_numbers<[1], [0], [0], [1], [0, 0, 1, 1], [], []>, transpose_lhs_hint = false} : vector<256x128xf32>, vector<128x64xf32>, vector<256x64xf32> -> vector<256x64xf32>
      %get3A_43 = arith.constant 0 : index
      %get3A_44 = arith.constant 0 : index
      %get3A_45 = vector.load %arg5[%get3A_43, %get3A_44] : memref<1x64xf32, #tpu.memory_space<vmem>>, vector<1x64xf32>
      %add3A_46 = vector.broadcast %get3A_45 : vector<1x64xf32> to vector<256x64xf32>
      %add3A_47 = arith.addf %dot_general3A_42, %add3A_46 : vector<256x64xf32>
      %get3A_48 = arith.constant 0 : index
      %get3A_49 = arith.constant 0 : index
      %get3A_50 = vector.load %arg6[%get3A_48, %get3A_49] : memref<128x64xf32, #tpu.memory_space<vmem>>, vector<128x64xf32>
      %dot_general3A_51 = arith.constant dense<0.000000e+00> : vector<256x64xf32>
      %dot_general3A_52 = tpu.matmul %max3A_37, %get3A_50, %dot_general3A_51 {dimension_numbers = #tpu.dot_dimension_numbers<[1], [0], [0], [1], [0, 0, 1, 1], [], []>, transpose_lhs_hint = false} : vector<256x128xf32>, vector<128x64xf32>, vector<256x64xf32> -> vector<256x64xf32>
      %get3A_53 = arith.constant 0 : index
      %get3A_54 = arith.constant 0 : index
      %get3A_55 = vector.load %arg7[%get3A_53, %get3A_54] : memref<1x64xf32, #tpu.memory_space<vmem>>, vector<1x64xf32>
      %add3A_56 = vector.broadcast %get3A_55 : vector<1x64xf32> to vector<256x64xf32>
      %add3A_57 = arith.addf %dot_general3A_52, %add3A_56 : vector<256x64xf32>
      %swap3A_58 = arith.constant 0 : index
      %swap3A_59 = arith.constant 0 : index
      %swap3A_60 = vector.load %arg19[%swap3A_58, %swap3A_59] : memref<256x64xf32, #tpu.memory_space<vmem>>, vector<256x64xf32>
      tpu.vector_store %arg19[%swap3A_58, %swap3A_59], %add3A_47 {strides = array<i32>} : memref<256x64xf32, #tpu.memory_space<vmem>>, vector<256x64xf32>,
      %swap3A_61 = arith.constant 0 : index
      %swap3A_62 = arith.constant 0 : index
      %swap3A_63 = vector.load %arg20[%swap3A_61, %swap3A_62] : memref<256x64xf32, #tpu.memory_space<vmem>>, vector<256x64xf32>
      tpu.vector_store %arg20[%swap3A_61, %swap3A_62], %add3A_57 {strides = array<i32>} : memref<256x64xf32, #tpu.memory_space<vmem>>, vector<256x64xf32>,
      %get3A_64 = arith.constant 0 : index
      %get3A_65 = arith.constant 0 : index
      %get3A_66 = vector.load %arg16[%get3A_64, %get3A_65] : memref<256x64xf32, #tpu.memory_space<vmem>>, vector<256x64xf32>
      %mul3A_67 = arith.constant 5.000000e-01 : f32
      %mul3A_68 = vector.broadcast %mul3A_67 : f32 to vector<256x64xf32>
      %mul3A_69 = arith.mulf %mul3A_68, %add3A_57 : vector<256x64xf32>
      %exp3A = math.exp %mul3A_69 : vector<256x64xf32>
      %mul3A_70 = arith.mulf %get3A_66, %exp3A : vector<256x64xf32>
      %add3A_71 = arith.addf %add3A_47, %mul3A_70 : vector<256x64xf32>
      %iota3A = tpu.iota {dimensions = array<i32: 0>} : vector<64x64xi32>
      %iota3A_72 = tpu.iota {dimensions = array<i32: 1>} : vector<64x64xi32>
      %eq3A_73 = arith.cmpi eq, %iota3A, %iota3A_72 : vector<64x64xi32>
      %convert_element_type3A_74 = arith.extui %eq3A_73 : vector<64x64xi1> to vector<64x64xi32>
      %convert_element_type3A_75 = arith.sitofp %convert_element_type3A_74 : vector<64x64xi32> to vector<64x64xf32>
      %get3A_76 = arith.constant 0 : index
      %get3A_77 = arith.constant 0 : index
      %get3A_78 = vector.load %arg8[%get3A_76, %get3A_77] : memref<64x64xf32, #tpu.memory_space<vmem>>, vector<64x64xf32>
      %logistic3A = arith.negf %get3A_78 : vector<64x64xf32>
      %logistic3A_79 = math.exp %logistic3A : vector<64x64xf32>
      %logistic3A_80 = arith.constant 1.000000e+00 : f32
      %logistic3A_81 = vector.broadcast %logistic3A_80 : f32 to vector<64x64xf32>
      %logistic3A_82 = arith.addf %logistic3A_81, %logistic3A_79 : vector<64x64xf32>
      %logistic3A_83 = arith.divf %logistic3A_81, %logistic3A_82 : vector<64x64xf32>
      %sub3A = arith.constant 1.000000e+00 : f32
      %sub3A_84 = vector.broadcast %sub3A : f32 to vector<64x64xf32>
      %sub3A_85 = arith.subf %sub3A_84, %convert_element_type3A_75 : vector<64x64xf32>
      %mul3A_86 = arith.mulf %logistic3A_83, %sub3A_85 : vector<64x64xf32>
      %add3A_87 = arith.addf %mul3A_86, %convert_element_type3A_75 : vector<64x64xf32>
      %get3A_88 = arith.constant 0 : index
      %get3A_89 = arith.constant 0 : index
      %get3A_90 = vector.load %arg15[%get3A_88, %get3A_89] : memref<1x1xf32, #tpu.memory_space<vmem>>, vector<1x1xf32>
      %get3A_91 = vector.extract %get3A_90[0, 0] : f32 from vector<1x1xf32>
      %gt3A = arith.constant 5.000000e+01 : f32
      %gt3A_92 = arith.cmpf ogt, %get3A_91, %gt3A : f32
      %le3A = arith.constant 1.000000e-01 : f32
      %le3A_93 = vector.broadcast %le3A : f32 to vector<64x64xf32>
      %le3A_94 = arith.cmpf ole, %add3A_87, %le3A_93 : vector<64x64xf32>
      %and3A = vector.broadcast %gt3A_92 : i1 to vector<64x64xi1>
      %and3A_95 = arith.andi %and3A, %le3A_94 : vector<64x64xi1>
      %jit3A = arith.constant 0.000000e+00 : f32
      %broadcast_in_dim3A = vector.broadcast %jit3A : f32 to vector<64x64xf32>
      %select_n3A = arith.select %and3A_95, %broadcast_in_dim3A, %add3A_87 : vector<64x64xi1>, vector<64x64xf32>
      %swap3A_96 = arith.constant 0 : index
      %swap3A_97 = arith.constant 0 : index
      %swap3A_98 = vector.load %arg18[%swap3A_96, %swap3A_97] : memref<64x64xf32, #tpu.memory_space<vmem>>, vector<64x64xf32>
      tpu.vector_store %arg18[%swap3A_96, %swap3A_97], %select_n3A {strides = array<i32>} : memref<64x64xf32, #tpu.memory_space<vmem>>, vector<64x64xf32>,
      %concatenate3A_99 = tpu.concatenate %select_n3A, %select_n3A, %select_n3A, %select_n3A, %select_n3A, %select_n3A, %select_n3A, %select_n3A, %select_n3A, %select_n3A, %select_n3A, %select_n3A, %select_n3A, %select_n3A, %select_n3A, %select_n3A, %select_n3A, %select_n3A, %select_n3A, %select_n3A, %select_n3A, %select_n3A, %select_n3A, %select_n3A, %select_n3A, %select_n3A, %select_n3A, %select_n3A, %select_n3A, %select_n3A, %select_n3A, %select_n3A in 1 : vector<64x64xf32>, vector<64x64xf32>, vector<64x64xf32>, vector<64x64xf32>, vector<64x64xf32>, vector<64x64xf32>, vector<64x64xf32>, vector<64x64xf32>, vector<64x64xf32>, vector<64x64xf32>, vector<64x64xf32>, vector<64x64xf32>, vector<64x64xf32>, vector<64x64xf32>, vector<64x64xf32>, vector<64x64xf32>, vector<64x64xf32>, vector<64x64xf32>, vector<64x64xf32>, vector<64x64xf32>, vector<64x64xf32>, vector<64x64xf32>, vector<64x64xf32>, vector<64x64xf32>, vector<64x64xf32>, vector<64x64xf32>, vector<64x64xf32>, vector<64x64xf32>, vector<64x64xf32>, vector<64x64xf32>, vector<64x64xf32>, vector<64x64xf32> -> vector<64x2048xf32>
      %swap3A_100 = arith.constant 0 : index
      %swap3A_101 = arith.constant 0 : index
      %swap3A_102 = vector.load %arg23[%swap3A_100, %swap3A_101] : memref<64x2048xf32, #tpu.memory_space<vmem>>, vector<64x2048xf32>
      tpu.vector_store %arg23[%swap3A_100, %swap3A_101], %concatenate3A_99 {strides = array<i32>} : memref<64x2048xf32, #tpu.memory_space<vmem>>, vector<64x2048xf32>,
      %concatenate3A_103 = tpu.concatenate %add3A_71, %add3A_71, %add3A_71, %add3A_71, %add3A_71, %add3A_71, %add3A_71, %add3A_71, %add3A_71, %add3A_71, %add3A_71, %add3A_71, %add3A_71, %add3A_71, %add3A_71, %add3A_71, %add3A_71, %add3A_71, %add3A_71, %add3A_71, %add3A_71, %add3A_71, %add3A_71, %add3A_71, %add3A_71, %add3A_71, %add3A_71, %add3A_71, %add3A_71, %add3A_71, %add3A_71, %add3A_71, %add3A_71, %add3A_71, %add3A_71, %add3A_71, %add3A_71, %add3A_71, %add3A_71, %add3A_71, %add3A_71, %add3A_71, %add3A_71, %add3A_71, %add3A_71, %add3A_71, %add3A_71, %add3A_71, %add3A_71, %add3A_71, %add3A_71, %add3A_71, %add3A_71, %add3A_71, %add3A_71, %add3A_71, %add3A_71, %add3A_71, %add3A_71, %add3A_71, %add3A_71, %add3A_71, %add3A_71, %add3A_71 in 1 : vector<256x64xf32>, vector<256x64xf32>, vector<256x64xf32>, vector<256x64xf32>, vector<256x64xf32>, vector<256x64xf32>, vector<256x64xf32>, vector<256x64xf32>, vector<256x64xf32>, vector<256x64xf32>, vector<256x64xf32>, vector<256x64xf32>, vector<256x64xf32>, vector<256x64xf32>, vector<256x64xf32>, vector<256x64xf32>, vector<256x64xf32>, vector<256x64xf32>, vector<256x64xf32>, vector<256x64xf32>, vector<256x64xf32>, vector<256x64xf32>, vector<256x64xf32>, vector<256x64xf32>, vector<256x64xf32>, vector<256x64xf32>, vector<256x64xf32>, vector<256x64xf32>, vector<256x64xf32>, vector<256x64xf32>, vector<256x64xf32>, vector<256x64xf32>, vector<256x64xf32>, vector<256x64xf32>, vector<256x64xf32>, vector<256x64xf32>, vector<256x64xf32>, vector<256x64xf32>, vector<256x64xf32>, vector<256x64xf32>, vector<256x64xf32>, vector<256x64xf32>, vector<256x64xf32>, vector<256x64xf32>, vector<256x64xf32>, vector<256x64xf32>, vector<256x64xf32>, vector<256x64xf32>, vector<256x64xf32>, vector<256x64xf32>, vector<256x64xf32>, vector<256x64xf32>, vector<256x64xf32>, vector<256x64xf32>, vector<256x64xf32>, vector<256x64xf32>, vector<256x64xf32>, vector<256x64xf32>, vector<256x64xf32>, vector<256x64xf32>, vector<256x64xf32>, vector<256x64xf32>, vector<256x64xf32>, vector<256x64xf32> -> vector<256x4096xf32>
      %get3A_104 = arith.constant 0 : index
      %get3A_105 = arith.constant 0 : index
      %get3A_106 = vector.load %arg9[%get3A_104, %get3A_105] : memref<1x4096xf32, #tpu.memory_space<vmem>>, vector<1x4096xf32>
      %mul3A_107 = vector.broadcast %get3A_106 : vector<1x4096xf32> to vector<256x4096xf32>
      %mul3A_108 = arith.mulf %concatenate3A_103, %mul3A_107 : vector<256x4096xf32>
      %get3A_109 = arith.constant 0 : index
      %get3A_110 = arith.constant 0 : index
      %get3A_111 = vector.load %arg10[%get3A_109, %get3A_110] : memref<1x4096xf32, #tpu.memory_space<vmem>>, vector<1x4096xf32>
      %add3A_112 = vector.broadcast %get3A_111 : vector<1x4096xf32> to vector<256x4096xf32>
      %add3A_113 = arith.addf %mul3A_108, %add3A_112 : vector<256x4096xf32>
      %tanh3A = math.tanh %add3A_113 : vector<256x4096xf32>
      %swap3A_114 = arith.constant 0 : index
      %swap3A_115 = arith.constant 0 : index
      %swap3A_116 = vector.load %arg21[%swap3A_114, %swap3A_115] : memref<256x4096xf32, #tpu.memory_space<vmem>>, vector<256x4096xf32>
      tpu.vector_store %arg21[%swap3A_114, %swap3A_115], %tanh3A {strides = array<i32>} : memref<256x4096xf32, #tpu.memory_space<vmem>>, vector<256x4096xf32>,
      %broadcast_in_dim3A_117 = arith.constant 0.000000e+00 : f32
      %broadcast_in_dim3A_118 = vector.broadcast %broadcast_in_dim3A_117 : f32 to vector<256x2048xf32>
      %swap3A_119 = arith.constant 0 : index
      %swap3A_120 = arith.constant 0 : index
      %swap3A_121 = vector.load %arg22[%swap3A_119, %swap3A_120] : memref<256x2048xf32, #tpu.memory_space<vmem>>, vector<256x2048xf32>
      tpu.vector_store %arg22[%swap3A_119, %swap3A_120], %broadcast_in_dim3A_118 {strides = array<i32>} : memref<256x2048xf32, #tpu.memory_space<vmem>>, vector<256x2048xf32>,
    } else {
    }
    %get3A = arith.constant 0 : index
    %get3A_2 = arith.constant 0 : index
    %get3A_3 = vector.load %arg23[%get3A, %get3A_2] : memref<64x2048xf32, #tpu.memory_space<vmem>>, vector<64x2048xf32>
    %concatenate3A = tpu.concatenate %get3A_3, %get3A_3, %get3A_3, %get3A_3, %get3A_3, %get3A_3, %get3A_3, %get3A_3 in 0 : vector<64x2048xf32>, vector<64x2048xf32>, vector<64x2048xf32>, vector<64x2048xf32>, vector<64x2048xf32>, vector<64x2048xf32>, vector<64x2048xf32>, vector<64x2048xf32> -> vector<512x2048xf32>
    %mul3A = arith.constant 512 : i32
    %mul3A_4 = arith.muli %arg0, %mul3A : i32
    %get3A_5 = arith.constant 0 : index
    %get3A_6 = arith.index_cast %mul3A_4 : i32 to index
    %get3A_7 = vector.load %arg21[%get3A_5, %get3A_6] : memref<256x4096xf32, #tpu.memory_space<vmem>>, vector<256x512xf32>
    %get3A_8 = arith.constant 0 : index
    %get3A_9 = arith.constant 0 : index
    %get3A_10 = vector.load %arg22[%get3A_8, %get3A_9] : memref<256x2048xf32, #tpu.memory_space<vmem>>, vector<256x2048xf32>
    %get3A_11 = arith.constant 0 : index
    %get3A_12 = arith.constant 0 : index
    %get3A_13 = vector.load %arg11[%get3A_11, %get3A_12] : memref<512x2048xf32, #tpu.memory_space<vmem>>, vector<512x2048xf32>
    %mul3A_14 = arith.mulf %get3A_13, %concatenate3A : vector<512x2048xf32>
    %dot_general3A = arith.constant dense<0.000000e+00> : vector<256x2048xf32>
    %dot_general3A_15 = tpu.matmul %get3A_7, %mul3A_14, %dot_general3A {dimension_numbers = #tpu.dot_dimension_numbers<[1], [0], [0], [1], [0, 0, 1, 1], [], []>, transpose_lhs_hint = false} : vector<256x512xf32>, vector<512x2048xf32>, vector<256x2048xf32> -> vector<256x2048xf32>
    %add3A = arith.addf %get3A_10, %dot_general3A_15 : vector<256x2048xf32>
    %swap3A = arith.constant 0 : index
    %swap3A_16 = arith.constant 0 : index
    %swap3A_17 = vector.load %arg22[%swap3A, %swap3A_16] : memref<256x2048xf32, #tpu.memory_space<vmem>>, vector<256x2048xf32>
    tpu.vector_store %arg22[%swap3A, %swap3A_16], %add3A {strides = array<i32>} : memref<256x2048xf32, #tpu.memory_space<vmem>>, vector<256x2048xf32>,
    %eq3A_18 = arith.constant 7 : i32
    %eq3A_19 = arith.cmpi eq, %arg0, %eq3A_18 : i32
    %convert_element_type3A_20 = arith.extui %eq3A_19 : i1 to i32
    %cond3A_21 = arith.constant 0 : i32
    %cond3A_22 = arith.cmpi ne, %convert_element_type3A_20, %cond3A_21 : i32
    scf.if %cond3A_22 {
      %get3A_23 = arith.constant 0 : index
      %get3A_24 = arith.constant 0 : index
      %get3A_25 = vector.load %arg22[%get3A_23, %get3A_24] : memref<256x2048xf32, #tpu.memory_space<vmem>>, vector<256x2048xf32>
      %get3A_26 = arith.constant 0 : index
      %get3A_27 = arith.constant 0 : index
      %get3A_28 = vector.load %arg12[%get3A_26, %get3A_27] : memref<1x2048xf32, #tpu.memory_space<vmem>>, vector<1x2048xf32>
      %add3A_29 = vector.broadcast %get3A_28 : vector<1x2048xf32> to vector<256x2048xf32>
      %add3A_30 = arith.addf %get3A_25, %add3A_29 : vector<256x2048xf32>
      %max3A = arith.constant 0.000000e+00 : f32
      %max3A_31 = vector.broadcast %max3A : f32 to vector<256x2048xf32>
      %max3A_32 = arith.maximumf %add3A_30, %max3A_31 : vector<256x2048xf32>
      %get3A_33 = arith.constant 0 : index
      %get3A_34 = arith.constant 0 : index
      %get3A_35 = vector.load %arg18[%get3A_33, %get3A_34] : memref<64x64xf32, #tpu.memory_space<vmem>>, vector<64x64xf32>
      %concatenate3A_36 = tpu.concatenate %get3A_35, %get3A_35, %get3A_35, %get3A_35, %get3A_35, %get3A_35, %get3A_35, %get3A_35, %get3A_35, %get3A_35, %get3A_35, %get3A_35, %get3A_35, %get3A_35, %get3A_35, %get3A_35, %get3A_35, %get3A_35, %get3A_35, %get3A_35, %get3A_35, %get3A_35, %get3A_35, %get3A_35, %get3A_35, %get3A_35, %get3A_35, %get3A_35, %get3A_35, %get3A_35, %get3A_35, %get3A_35 in 0 : vector<64x64xf32>, vector<64x64xf32>, vector<64x64xf32>, vector<64x64xf32>, vector<64x64xf32>, vector<64x64xf32>, vector<64x64xf32>, vector<64x64xf32>, vector<64x64xf32>, vector<64x64xf32>, vector<64x64xf32>, vector<64x64xf32>, vector<64x64xf32>, vector<64x64xf32>, vector<64x64xf32>, vector<64x64xf32>, vector<64x64xf32>, vector<64x64xf32>, vector<64x64xf32>, vector<64x64xf32>, vector<64x64xf32>, vector<64x64xf32>, vector<64x64xf32>, vector<64x64xf32>, vector<64x64xf32>, vector<64x64xf32>, vector<64x64xf32>, vector<64x64xf32>, vector<64x64xf32>, vector<64x64xf32>, vector<64x64xf32>, vector<64x64xf32> -> vector<2048x64xf32>
      %get3A_37 = arith.constant 0 : index
      %get3A_38 = arith.constant 0 : index
      %get3A_39 = vector.load %arg13[%get3A_37, %get3A_38] : memref<2048x64xf32, #tpu.memory_space<vmem>>, vector<2048x64xf32>
      %mul3A_40 = arith.mulf %get3A_39, %concatenate3A_36 : vector<2048x64xf32>
      %dot_general3A_41 = arith.constant dense<0.000000e+00> : vector<256x64xf32>
      %dot_general3A_42 = tpu.matmul %max3A_32, %mul3A_40, %dot_general3A_41 {dimension_numbers = #tpu.dot_dimension_numbers<[1], [0], [0], [1], [0, 0, 1, 1], [], []>, transpose_lhs_hint = false} : vector<256x2048xf32>, vector<2048x64xf32>, vector<256x64xf32> -> vector<256x64xf32>
      %get3A_43 = arith.constant 0 : index
      %get3A_44 = arith.constant 0 : index
      %get3A_45 = vector.load %arg14[%get3A_43, %get3A_44] : memref<1x1xf32, #tpu.memory_space<vmem>>, vector<1x1xf32>
      %add3A_46 = vector.broadcast %get3A_45 : vector<1x1xf32> to vector<256x64xf32>
      %add3A_47 = arith.addf %dot_general3A_42, %add3A_46 : vector<256x64xf32>
      %swap3A_48 = arith.constant 0 : index
      %swap3A_49 = arith.constant 0 : index
      %swap3A_50 = vector.load %arg17[%swap3A_48, %swap3A_49] : memref<256x64xf32, #tpu.memory_space<vmem>>, vector<256x64xf32>
      tpu.vector_store %arg17[%swap3A_48, %swap3A_49], %add3A_47 {strides = array<i32>} : memref<256x64xf32, #tpu.memory_space<vmem>>, vector<256x64xf32>,
    } else {
    }
    return
  }
  func.func @transform_0(%arg0: i32) -> (i32, i32) {
    %c0_i32 = arith.constant 0 : i32
    %c0_i32_0 = arith.constant 0 : i32
    %c0_i32_1 = arith.constant 0 : i32
    return %c0_i32, %c0_i32_0 : i32, i32
  }
  func.func @transform_1(%arg0: i32) -> (i32, i32) {
    %c0_i32 = arith.constant 0 : i32
    %c0_i32_0 = arith.constant 0 : i32
    %c0_i32_1 = arith.constant 0 : i32
    return %c0_i32, %c0_i32_0 : i32, i32
  }
  func.func @transform_2(%arg0: i32) -> (i32, i32) {
    %c0_i32 = arith.constant 0 : i32
    %c0_i32_0 = arith.constant 0 : i32
    %c0_i32_1 = arith.constant 0 : i32
    return %c0_i32, %c0_i32_0 : i32, i32
  }
  func.func @transform_3(%arg0: i32) -> (i32, i32) {
    %c0_i32 = arith.constant 0 : i32
    %c0_i32_0 = arith.constant 0 : i32
    %c0_i32_1 = arith.constant 0 : i32
    return %c0_i32, %c0_i32_0 : i32, i32
  }
  func.func @transform_4(%arg0: i32) -> (i32, i32) {
    %c0_i32 = arith.constant 0 : i32
    %c0_i32_0 = arith.constant 0 : i32
    %c0_i32_1 = arith.constant 0 : i32
    return %c0_i32, %c0_i32_0 : i32, i32
  }
  func.func @transform_5(%arg0: i32) -> (i32, i32) {
    %c0_i32 = arith.constant 0 : i32
    %c0_i32_0 = arith.constant 0 : i32
    %c0_i32_1 = arith.constant 0 : i32
    return %c0_i32, %c0_i32_0 : i32, i32
  }
  func.func @transform_6(%arg0: i32) -> (i32, i32) {
    %c0_i32 = arith.constant 0 : i32
    %c0_i32_0 = arith.constant 0 : i32
    %c0_i32_1 = arith.constant 0 : i32
    return %c0_i32, %c0_i32_0 : i32, i32
  }
  func.func @transform_7(%arg0: i32) -> (i32, i32) {
    %c0_i32 = arith.constant 0 : i32
    %c0_i32_0 = arith.constant 0 : i32
    %c0_i32_1 = arith.constant 0 : i32
    return %c0_i32, %c0_i32_0 : i32, i32
  }
  func.func @transform_8(%arg0: i32) -> (i32, i32) {
    %c0_i32 = arith.constant 0 : i32
    %c0_i32_0 = arith.constant 0 : i32
    %c0_i32_1 = arith.constant 0 : i32
    return %c0_i32, %c0_i32_0 : i32, i32
  }
  func.func @transform_9(%arg0: i32) -> (i32, i32) {
    %c0_i32 = arith.constant 0 : i32
    %c0_i32_0 = arith.constant 0 : i32
    %c0_i32_1 = arith.constant 0 : i32
    return %c0_i32, %c0_i32_0 : i32, i32
  }
  func.func @transform_10(%arg0: i32) -> (i32, i32) {
    %c0_i32 = arith.constant 0 : i32
    %c0_i32_0 = arith.constant 0 : i32
    return %arg0, %c0_i32 : i32, i32
  }
  func.func @transform_11(%arg0: i32) -> (i32, i32) {
    %c0_i32 = arith.constant 0 : i32
    %c0_i32_0 = arith.constant 0 : i32
    %c0_i32_1 = arith.constant 0 : i32
    return %c0_i32, %c0_i32_0 : i32, i32
  }
  func.func @transform_12(%arg0: i32) -> (i32, i32) {
    %c0_i32 = arith.constant 0 : i32
    %c0_i32_0 = arith.constant 0 : i32
    %c0_i32_1 = arith.constant 0 : i32
    return %c0_i32, %c0_i32_0 : i32, i32
  }
  func.func @transform_13(%arg0: i32) -> (i32, i32) {
    %c0_i32 = arith.constant 0 : i32
    %c0_i32_0 = arith.constant 0 : i32
    %c0_i32_1 = arith.constant 0 : i32
    return %c0_i32, %c0_i32_0 : i32, i32
  }
  func.func @transform_14(%arg0: i32) -> (i32, i32) {
    %c0_i32 = arith.constant 0 : i32
    %c0_i32_0 = arith.constant 0 : i32
    %c0_i32_1 = arith.constant 0 : i32
    return %c0_i32, %c0_i32_0 : i32, i32
  }
  func.func @transform_15(%arg0: i32) -> (i32, i32) {
    %c0_i32 = arith.constant 0 : i32
    %c0_i32_0 = arith.constant 0 : i32
    %c0_i32_1 = arith.constant 0 : i32
    return %c0_i32, %c0_i32_0 : i32, i32
  }
  func.func @transform_16(%arg0: i32) -> (i32, i32) {
    %c0_i32 = arith.constant 0 : i32
    %c0_i32_0 = arith.constant 0 : i32
    %c0_i32_1 = arith.constant 0 : i32
    return %c0_i32, %c0_i32_0 : i32, i32
  }
  func.func @transform_17(%arg0: i32) -> (i32, i32) {
    %c0_i32 = arith.constant 0 : i32
    %c0_i32_0 = arith.constant 0 : i32
    %c0_i32_1 = arith.constant 0 : i32
    return %c0_i32, %c0_i32_0 : i32, i32
  }
  func.func @transform_18(%arg0: i32) -> (i32, i32) {
    %c0_i32 = arith.constant 0 : i32
    %c0_i32_0 = arith.constant 0 : i32
    %c0_i32_1 = arith.constant 0 : i32
    return %c0_i32, %c0_i32_0 : i32, i32
  }
  func.func @transform_19(%arg0: i32) -> (i32, i32) {
    %c0_i32 = arith.constant 0 : i32
    %c0_i32_0 = arith.constant 0 : i32
    %c0_i32_1 = arith.constant 0 : i32
    return %c0_i32, %c0_i32_0 : i32, i32
  }
}

</mosaic_0001>

<sc_bundles>
// kernel: sparse-core-data-format-call.cloned.1.call-start
scs
called_computation_lowered:
.L_overlay_start_0:
0x0: {  	s2 =	sld [smem:$0x3FD9]  }
0x1: {  	s3 =	sld [smem:$0x3FFE];
	_ =	sdelay $0x1  }
0x2: {  	s1 =	srdreg.scid  }
0x3: {  	s0 =	sand.u32 $0x1, s1  }
0x4: {  	s18 =	sshll.u32 s0, $0xA;
	s2 =	sadd.s32 s3, s2  }
0x5: {  	s2 =	sadd.s32 s2, s18  }
0x6: {  	[smem:$0x3FB9] =	sst s2  }
0x7: {  	_ = 	snop  }
0x8: {  	s2 =	sld [smem:$0x3FBF];
	(tm) =	ssettm $0x1  }
0x9: {  	s19 =	sld [smem:$0x3FFB];
	_ =	sdelay $0x3  }
0xa: {  	_ =	strace s19  }
0xb: {  	s3 =	sld [smem:$0x3FFC];
	_ =	sdelay $0x3  }
0xc: {  	_ =	strace s3  }
0xd: {  	s3 =	sld [smem:$0x3FFD];
	_ =	sdelay $0x3  }
0xe: {  	_ =	strace s3  }
0xf: {  	_ =	strace $0x8FFFFFFF  }
0x10: {  	s20 =	sld [smem:$0x3FDB];
	_ =	sdelay $0x1  }
0x11: {  	s4 =	simm.s32 $_scs_section_size  }
0x12: {  	s5 =	simm.s32 $_size__tile_overlayer_lowered;
	s6 =	simm.s32 $_tile_overlayer_lowered  }
0x13: {  	s23 =	simm.s32 $0x1BFF;
	s22 =	sshll.u32 s6, $0x1;
	s3 =	sadd.s32 s4, s20  }
0x14: {  	s7 =	simm.s32 $0x0;
	s21 =	sshll.u32 s5, $0x1;
	s5 =	sadd.s32 s22, s3  }
0x15: {  	[timem:s7], [sflag:s23] =	dma.local [hbm:s5], s21  }
0x16: {  	_ =	swait.ge [sflag:s23], s21  }
0x17: {  	s4 =	ssub.s32 $0x0, s21;
	[sflag:s23] =	ssyncset.done $0x0  }
0x18: {  	[sflag:s23] =	ssyncadd.s32 s4;
	_ =	sdelay $0x1  }
0x19: {  	s24 =	simm.s32 $0x1B8B  }
0x1a: {  	_ =	swait.ge [sflag:s24], $0x1  }
0x1b: {  	[sflag:s24] =	ssyncset.done $0x0  }
0x1c: {  	s26 =	simm.s32 $0x1B8E;
	s25 =	sld [smem:$0x3FFE];
	[sflag:s24] =	ssyncadd.s32 $0xFFFFFFFF  }
0x1d: {  	s27 =	simm.s32 $execute0_lowered;
	[smem:$0x3FD2] =	sst s26  }
0x1e: {  	s5 =	sshll.u32 s27, $0x1;
	_ =	strace $0x80000046;
	[dreg:$0x1] =	wrdreg $0xFFFFFFFF  }
0x1f: {  	s28 =	simm.s32 $_size_execute0_lowered;
	s3 =	sadd.s32 s3, s5;
	[dreg:$0x0] =	wrdreg $0x0  }
0x20: {  	s5 =	sshll.u32 s28, $0x1;
	[dreg:$0x2] =	wrdreg s3  }
0x21: {  	[dreg:$0x3] =	wrdreg s5  }
0x22: {  	[dreg:$0x4] =	wrdreg $0xC0  }
0x23: {  	_ =	task [dreg:s7], $0x5FFFF  }
0x24: {  	[dreg:$0x1] =	wrdreg $0xFFFFFFFF  }
0x25: {  	[dreg:$0x0] =	wrdreg $0x60  }
0x26: {  	[dreg:$0x2] =	wrdreg s2  }
0x27: {  	[dreg:$0x3] =	wrdreg s25  }
0x28: {  	[dreg:$0x4] =	wrdreg $0x9  }
0x29: {  	_ =	task.clear_ibuf [dreg:s7], $0x5FFFF;
	_ =	strace $0x90000046  }
0x2a: {  	s29 =	simm.s32 $0x9;
	_ =	strace $0x80000048  }
0x2b: {  	_ =	swait.ge [sflag:s29], $0x1  }
0x2c: {  	[sflag:s29] =	ssyncadd.s32 $0xFFFFFFFF  }
0x2d: {  	_ =	strace $0x90000048  }
0x2e: {  	_ =	sfence  }
0x2f: {  	s30 =	sld [smem:$0x0];
	_ =	sdelay $0x2  }
0x30: {  	s31 =	sshll.u32 s1, $0xD;
	s1 =	sshrl.u32 s1, $0x2  }
0x31: {  	s3 =	sand.u32 $0x4000, s31;
	s1 =	sadd.s32 s1, s30  }
0x32: {  	s0 =	sor.u32 s3, s0;
	s1 =	sshll.u32 s1, $0x11  }
0x33: {  	s0 =	sor.u32 s1, s0  }
0x34: {  	s0 =	sadd.s32 $0x8F2B, s0  }
0x35: {  	[sflag:s0] =	ssyncadd.remote.s32 $0x1  }
0x36: {  	_ =	sfence.sel $0xFFFF  }
0x37: {  	[dreg:$0x0] =	wrdreg $0xFFFFFFFF;
	(pc) =	sbr.abs _section_cstart, $3  }
0x38: {  	[dreg:$0x1] =	wrdreg $0xFFFFFFFF  }
0x39: {  	_ =	task.clear_ibuf [dreg:s7], $0x2FFFF;
	_ =	strace $0x9FFFFFFF  }
0x3a: {  	(tm) =	ssettm $0x7FFFFFFF  }
0x3b: {  	_ =	shalt  }
tec
execute0_lowered:
.L_overlay_start_1:
0x0: {  	(tag) =	ssettag $0x1  }
0x1: {  	s2 =	rddreg [dreg:$0x0]  }
0x2: {  	s1 =	rddreg [dreg:$0x1]  }
0x3: {  	s0 =	rddreg [dreg:$0x2]  }
0x4: {  	s4 =	srdreg.scid;
	_ =	strace $0x80000047;
	s6 =	simm.s32 $0x2  }
0x5: {  	s13 =	simm.s32 $0x0;
	p0 =	por $0x0, $0x0;
	s11 =	simm.s32 $0x0  }
.Ltmp0:
0x6: {  	s12 =	simm.s32 $0x0;
	s8 =	simm.s32 $0x0;
	(pc) =	sbr.rel .LBB1_1-.Ltmp0, $4  }
0x7: {  	s9 =	simm.s32 $0x0;
	s3 =	sadd.s32 $0x2000, s1;
	s4 =	sshll.u32 s4, $0x4  }
0x8: {  	s1 =	stileid.u32;
	s5 =	sand.u32 $0x10, s4;
	s4 =	simm.s32 $0x1  }
0x9: {  	s7 =	simm.s32 $0x0;
	s5 =	sor.u32 s1, s5;
	[sflag:s4] =	ssyncpa.u1 $0x0  }
0xa: {  	[sflag:s6] =	ssyncpa.u1 $0x0;
	s6 =	simm.s32 $0x40000;
	s10 =	smov.u32 s5  }
.LBB1_5:
0xb: {  	s14 =	sadd.s32 $0x1, s8  }
0xc: {  	s11 =	sadd.s32 $0x40, s9;
	s15 =	smov.u32 s9;
	p2 =	sgt.s32 s14, $0x1F  }
0xd: {  	s15 =	smov.u32 @p2 s11  }
0xe: {  	s17 =	smov.u32 s10;
	s11 =	sadd.s32 $0x20, s10;
	p3 =	sgt.s32 s15, $0x3F  }
0xf: {  	p1 =	slt.u32 s7, $0x2;
	s17 =	smov.u32 @p3 s11  }
0x10: {  	s7 =	sadd.s32 $0x1, s7;
	s14 =	simm.s32 @p2 $0x0;
	p2 =	sgt.s32 s17, $0x3F  }
0x11: {  	s17 =	smov.u32 @p2 s5;
	p2 =	sne.s32 s7, $0x42  }
.Ltmp1:
0x12: {  	s16 =	simm.s32 @!p1 $0x2;
	(pc) =	sbr.rel @!p2 .LBB1_6-.Ltmp1, $4  }
0x13: {  	s13 =	smov.u32 s8;
	_ =	swait.ge @!p1 [sflag:s16], $0x1000  }
0x14: {  	s12 =	smov.u32 s10;
	p0 =	por !p0, !p0;
	[sflag:s16] =	ssyncset.done @!p1 $0x0  }
0x15: {  	s8 =	smov.u32 s14;
	s15 =	simm.s32 @p3 $0x0;
	s11 =	smov.u32 s9  }
0x16: {  	[sflag:s16] =	ssyncadd.s32 @!p1 $0xFFFFF000;
	s9 =	smov.u32 s15;
	s10 =	smov.u32 s17  }
.LBB1_1:
0x17: {  	p1 =	sgt.u32 s7, $0x3F  }
0x18: {  	s14 =	sxor.u32 @!p1 $0xFFFFFFFF, s7;
	s15 =	sshll.u32 @!p1 s10, $0xF;
	s16 =	sshll.u32 @!p1 s9, $0x9  }
0x19: {  	s17 =	sshll.u32 @!p1 s8, $0x4;
	s14 =	sshll.u32 @!p1 s14, $0xC;
	s15 =	sadd.s32 @!p1 s2, s15  }
0x1a: {  	s17 =	sand.u32 @!p1 $0x1F0, s17;
	s14 =	sand.u32 @!p1 $0x1000, s14;
	s15 =	sadd.s32 @!p1 s16, s15  }
0x1b: {  	s16 =	simm.s32 @!p1 $0x40;
	s15 =	sadd.s32 @!p1 s17, s15;
	s17 =	simm.s32 @!p1 $0x1000  }
0x1c: {  	[tilespmem:s14], [sflag:$0x1] =	stream.strided.gather @!p1 [hbm4b:s15+s16], $0x1000, s17, s16, $0x38;
	[tilespmem:$0x4080] =	vst v63  }
0x1d: {  	p1 =	seq.s32 s7, $0x0  }
0x1e: {  	p2 =	seq.s32 @!p1 s7, $0x41  }
0x1f: {  	p1 =	por p1, p2  }
.Ltmp2:
0x20: {  	_ = 	snop;
	(pc) =	sbr.rel @p1 .LBB1_5-.Ltmp2, $1  }
0x21: {  	_ =	sdelay $0x3  }
0x22: {  	s14 =	simm.s32 $0x1  }
0x23: {  	_ =	swait.ge [sflag:s4], $0x1000;
	s14 =	simm.s32 @!p0 $0x0  }
0x24: {  	[sflag:s4] =	ssyncset.done $0x0;
	s15 =	sshll.u32 s14, $0xC  }
0x25: {  	[sflag:s4] =	ssyncadd.s32 $0xFFFFF000;
	s18 =	sor.u32 $0x20, s15  }
0x26: {  	s14 =	smul.u32 $0x4100, s14;
	v3 =	vld [tilespmem:s18+$0x10]  }
0x27: {  	s30 =	sand.u32 $0x1, s7;
	v2 =	vld [tilespmem:s18+$0xFFFFFFF0]  }
0x28: {  	s15 =	smul.u32 $0x4100, s30;
	s14 =	sshrl.u32 s14, $0x2;
	v0 =	vld [tilespmem:s18+$0x0]  }
0x29: {  	v1 =	vld [tilespmem:s18+$0xFFFFFFE0];
	s16 =	sor.u32 $0x2000, s14  }
0x2a: {  	s31 =	sshrl.u32 s15, $0x2;
	s15 =	sadd.s32 $0x0, s16  }
0x2b: {  	s17 =	simm.s32 $0x4;
	s18 =	sadd.s32 $0x40, s18;
	s14 =	sor.u32 $0x2000, s31;
	[tilespmem:s15+$0xC30 ss:$0x41] =	vst.msk $0xffff, v3  }
.LBB1_3:
0x2c: {  	v3 =	vld [tilespmem:s18+$0x10];
	p1 =	sne.s32 s17, $0xFC;
	[tilespmem:s15+$0x410 ss:$0x41] =	vst.msk $0xffff, v2;
	s19 =	smov.u32 s17;
	s17 =	sadd.s32 $0x4, s17  }
.Ltmp3:
0x2d: {  	v2 =	vld [tilespmem:s18+$0xFFFFFFF0];
	[tilespmem:s15+$0x820 ss:$0x41] =	vst.msk $0xffff, v0;
	(pc) =	sbr.rel @p1 .LBB1_3-.Ltmp3, $4  }
0x2e: {  	v0 =	vld [tilespmem:s18+$0x0];
	[tilespmem:s15+$0x0 ss:$0x41] =	vst.msk $0xffff, v1  }
0x2f: {  	s15 =	sshra.s32 s19, $0x2;
	v1 =	vld [tilespmem:s18+$0xFFFFFFE0]  }
0x30: {  	s15 =	sadd.s32 s15, s16  }
0x31: {  	s18 =	sadd.s32 $0x40, s18;
	[tilespmem:s15+$0xC30 ss:$0x41] =	vst.msk $0xffff, v3  }
0x32: {  	s13 =	sshll.u32 s13, $0x7;
	s16 =	sshll.u32 s11, $0x3  }
0x33: {  	s12 =	sshll.u32 s12, $0x9;
	s17 =	sand.u32 $0xC00, s13;
	s16 =	sand.u32 $0xC00, s16  }
0x34: {  	s30 =	sshrl.u32 s11, $0x3;
	s13 =	sand.u32 $0x380, s13;
	s16 =	sadd.s32 s16, s17  }
.Ltmp4:
0x35: {  	s31 =	sand.u32 $0x7, s11;
	s13 =	sor.u32 s13, s16;
	(pc) =	sbr.rel .LBB1_5-.Ltmp4, $4  }
0x36: {  	[tilespmem:s15+$0x410 ss:$0x41] =	vst.msk $0xffff, v2;
	s12 =	sadd.s32 s3, s12;
	s16 =	sand.u32 $0xF, s30;
	s13 =	sshrl.u32 s13, $0x3  }
0x37: {  	[tilespmem:s15+$0x820 ss:$0x41] =	vst.msk $0xffff, v0;
	s11 =	sshll.u32 s31, $0x12;
	s12 =	sadd.s32 s16, s12;
	s13 =	sand.u32 $0x1F0, s13  }
0x38: {  	[tilespmem:s15+$0x0 ss:$0x41] =	vst.msk $0xffff, v1;
	s11 =	sor.u32 $0x40, s11;
	s12 =	sadd.s32 s13, s12  }
0x39: {  	[hbm4b:s12+s11] =	stream.strided.scatter [tilespmem:s14], [sflag:$0x2], $0x1000, s6, s11, $0x18;
	[tilespmem:$0x4080] =	vst v63  }
.LBB1_6:
0x3a: {  	_ =	sfence.sel $0x180000  }
0x3b: {  	s2 =	simm.s32 $0x1;
	[bflag:$0x0] =	sbarrier.arrive $0xFFFF  }
0x3c: {  	s31 =	simm.s32 $0x2;
	[sflag:s2] =	ssyncpa.u1 $0x1  }
0x3d: {  	[sflag:s31] =	ssyncpa.u1 $0x1  }
0x3e: {  	p0 =	sne.s32 s1, $0x0;
	_ =	strace $0x90000047  }
0x3f: {  	s0 =	sadd.s32 @!p0 $0x100000, s0;
	[bflag:$0x2] =	sbarrier.arrive $0xFFFF  }
0x40: {  	[sflag:s0] =	ssyncadd.tile.s32 @!p0 $0x1;
	_ =	shalt  }
.Lfunc_end1:
_tile_overlayer_lowered:
.L_overlay_start_2:
0x41: {  	(tag) =	ssettag $0x2  }
0x42: {  	s0 =	rddreg [dreg:$0x0];
	s2 =	stileid.u32  }
0x43: {  	s1 =	rddreg [dreg:$0x1];
	p0 =	sne.s32 s2, $0x0  }
0x44: {  	s3 =	rddreg [dreg:$0x2];
	[bflag:$0x3] =	sbarrier.arrive $0xFFFF;
	s2 =	simm.s32 @!p0 $0x1C01  }
0x45: {  	[timem:s3], [sflag:s2] =	dma.local @!p0 [hbm:s0], s1  }
0x46: {  	s0 =	simm.s32 @!p0 $0x1  }
0x47: {  	_ =	swait.ge @!p0 [sflag:s0], s1  }
0x48: {  	s1 =	ssub.s32 @!p0 $0x0, s1;
	[sflag:s0] =	ssyncset.done @!p0 $0x0  }
0x49: {  	[sflag:s0] =	ssyncadd.s32 @!p0 s1  }
0x4a: {  	[bflag:$0x3] =	sbarrier.arrive $0xFFFF  }
0x4b: {  	_ =	shalt  }

</sc_bundles>
